<compile_context>
chip_gen: v7x
topology: tpu7x:2x2x1
jax: 0.10.2.dev20260603
libtpu: 0.0.44.dev20260713+nightly
codegen_flags: <defaults>
</compile_context>

<pallas_src>
import functools

import jax
import jax.numpy as jnp
from jax import lax
from jax.experimental import pallas as pl
from jax.experimental.pallas import tpu as pltpu
from jax.experimental.pallas import tpu_sc as plsc

f32 = jnp.float32
i32 = jnp.int32

VOCAB = 65
T = 8
ROWB = 72
NKEY = ROWB * T
DPAD = 128
LSECOL = 65
LOSSC = 80
NTOK = 1024
NC = 1
NS = 16
NW = NC * NS
BPT = NTOK // NW


def _tc_body(tok_t_ref, pos_ref, w_ref, b_ref, ctab_ref):
    W = w_ref[...]
    Lt = lax.dot_general(tok_t_ref[...], W, (((0,), (0,)), ((), ())),
                         preferred_element_type=f32,
                         precision=lax.Precision.HIGHEST)
    Lt = Lt + b_ref[...]
    Lp = jnp.dot(pos_ref[...], W, preferred_element_type=f32,
                 precision=lax.Precision.HIGHEST)
    for t in range(T):
        blk = Lt + Lp[t:t + 1, :]
        m = jnp.max(blk, axis=1, keepdims=True)
        s = jnp.sum(jnp.exp(blk - m), axis=1, keepdims=True)
        ctab_ref[pl.ds(t * ROWB, VOCAB), :VOCAB] = blk
        ctab_ref[pl.ds(t * ROWB, VOCAB), LSECOL:LSECOL + 1] = m + jnp.log(s)


_tc_tables = pl.pallas_call(
    _tc_body,
    out_shape=jax.ShapeDtypeStruct((NKEY, DPAD), f32),
)


@functools.partial(
    pl.kernel,
    mesh=plsc.VectorSubcoreMesh(core_axis_name="c", subcore_axis_name="s",
                                num_cores=NC),
    out_type=jax.ShapeDtypeStruct((NTOK, DPAD), f32),
    scratch_types=[
        pltpu.VMEM((BPT,), i32),
        pltpu.VMEM((BPT,), i32),
        pltpu.VMEM((BPT,), i32),
        pltpu.VMEM((BPT,), i32),
        pltpu.VMEM((BPT, DPAD), f32),
        pltpu.SemaphoreType.DMA,
        pltpu.SemaphoreType.DMA,
        pltpu.SemaphoreType.DMA,
    ],
    compiler_params=pltpu.CompilerParams(
        needs_layout_passes=False, use_tc_tiling_on_sc=False),
)
def _sc_kernel(ctab, idxf, tgtf, out,
               idx_v, tgt_v, keys_v, orow_v, rows_v,
               sem, sem2, sem3):
    cid = lax.axis_index("c")
    sid = lax.axis_index("s")
    wid = sid * NC + cid
    tpos = lax.div(wid * BPT, 128)
    rbase = lax.rem(wid * BPT, 128)

    cp_idx = pltpu.async_copy(idxf.at[pl.ds(wid * BPT, BPT)], idx_v, sem)
    cp_tgt = pltpu.async_copy(tgtf.at[pl.ds(wid * BPT, BPT)], tgt_v, sem2)
    cp_idx.wait()

    lane = jnp.arange(16, dtype=i32)
    for c in range(BPT // 16):
        keys_v[pl.ds(c * 16, 16)] = tpos * ROWB + idx_v[pl.ds(c * 16, 16)]
        orow_v[pl.ds(c * 16, 16)] = (rbase + c * 16 + lane) * T + tpos

    pltpu.async_copy(ctab.at[keys_v], rows_v, sem3).wait()

    cp_tgt.wait()
    lsecol = jnp.full((16,), LSECOL, dtype=i32)
    acc = jnp.zeros((16,), f32)
    for c in range(BPT // 16):
        rowi = lane + c * 16
        lg = plsc.load_gather(rows_v, [rowi, lsecol])
        picked = plsc.load_gather(rows_v, [rowi, tgt_v[pl.ds(c * 16, 16)]])
        acc = acc + (lg - picked)
    rows_v[0, pl.ds(LOSSC, 16)] = acc * jnp.float32(1.0 / NTOK)
    pltpu.async_copy(rows_v, out.at[orow_v], sem3).wait()


def kernel(idx, targets, tok_table, pos_table, W, b):
    V = tok_table.shape[0]
    ctab = _tc_tables(tok_table.astype(f32).T, pos_table.astype(f32),
                      W.astype(f32), b.astype(f32))

    idxT = idx.astype(i32).T.reshape(-1)
    tgtT = targets.astype(i32).T.reshape(-1)
    out_pad = _sc_kernel(ctab, idxT, tgtT)

    logits = out_pad[:, :V]
    nb = NTOK // (BPT * T)
    loss = jnp.sum(out_pad.reshape(nb, NTOK // nb, DPAD)[:, :T,
                                   LOSSC:LOSSC + 16])
    return (logits, loss)

# --- scband reference (transcript-rebuilt; emitter-appended) ---
"""Pipeline reference for scband-bigram-language-model-72499047956740 (READ-ONLY COPY).

The authoritative reference and input builder live on the scoring server;
editing this copy changes nothing except your own understanding.
"""

import jax, jax.numpy as jnp
import numpy as np

VOCAB = 65
BLOCK = 8
N_EMBD = 32
B = 128
T = 8

def setup_inputs(seed: int = 0) -> dict:
    key = jax.random.key(seed)
    k1, k2, k3, k4, k5, k6 = jax.random.split(key, 6)
    idx = jax.random.randint(k1, (B, T), 0, VOCAB, dtype=jnp.int64) if jax.config.jax_enable_x64 else jax.random.randint(k1, (B, T), 0, VOCAB, dtype=jnp.int32)
    targets = jax.random.randint(k2, (B, T), 0, VOCAB, dtype=jnp.int64) if jax.config.jax_enable_x64 else jax.random.randint(k2, (B, T), 0, VOCAB, dtype=jnp.int32)
    tok_table = jax.random.normal(k3, (VOCAB, N_EMBD), dtype=jnp.float32) * 0.02
    pos_table = jax.random.normal(k4, (BLOCK, N_EMBD), dtype=jnp.float32) * 0.02
    W = jax.random.normal(k5, (N_EMBD, VOCAB), dtype=jnp.float32) * 0.02
    b = jnp.zeros((VOCAB,), dtype=jnp.float32)
    return {"idx": idx, "targets": targets, "tok_table": tok_table, "pos_table": pos_table, "W": W, "b": b}

def reference(idx, targets, tok_table, pos_table, W, b):
    Bv, Tv = idx.shape
    tok_emb = jnp.take(tok_table, idx, axis=0)              # [B, T, n_embd]
    pos_emb = jnp.take(pos_table, jnp.arange(Tv), axis=0)   # [T, n_embd]
    x = tok_emb + pos_emb
    logits = x @ W + b                                       # [B, T, vocab]
    C = logits.shape[-1]
    logits = logits.reshape(Bv * Tv, C)
    t = targets.reshape(Bv * Tv)
    logp = jax.nn.log_softmax(logits, axis=-1)
    loss = -jnp.mean(jnp.take_along_axis(logp, t[:, None], axis=1))
    return (logits, loss)

if __name__ == "__main__":
    import jax
    _d = setup_inputs()
    print(jax.jit(kernel)(*tuple(_d.values())))

</pallas_src>

<mosaic_0001>
#map = affine_map<(d0, d1) -> (0, 0)>
#map1 = affine_map<(d0, d1) -> (0)>
module attributes {stable_mosaic.version = 14 : i64} {
  func.func @_sc_kernel(%arg0: i32, %arg1: i32, %arg2: memref<576x128xf32, #tpu.memory_space<hbm>>, %arg3: memref<1024xi32, #tpu.memory_space<hbm>>, %arg4: memref<1024xi32, #tpu.memory_space<hbm>>, %arg5: memref<1024x128xf32, #tpu.memory_space<hbm>>, %arg6: memref<64xi32, #tpu.memory_space<vmem>>, %arg7: memref<64xi32, #tpu.memory_space<vmem>>, %arg8: memref<64xi32, #tpu.memory_space<vmem>>, %arg9: memref<64xi32, #tpu.memory_space<vmem>>, %arg10: memref<64x128xf32, #tpu.memory_space<vmem>>, %arg11: memref<!tpu.dma_semaphore, #tpu.memory_space<semaphore_mem>>, %arg12: memref<!tpu.dma_semaphore, #tpu.memory_space<semaphore_mem>>, %arg13: memref<!tpu.dma_semaphore, #tpu.memory_space<semaphore_mem>>) attributes {dimension_semantics = [#tpu.dimension_semantics<core_parallel>, #tpu.dimension_semantics<subcore_parallel>], iteration_bounds = array<i64: 1, 16>, scalar_prefetch = 0 : i64, scratch_operands = 8 : i64, tpu.core_type = #tpu.core_type<sc_vector_subcore>, window_params = [{transform_indices = #map}, {transform_indices = #map1}, {transform_indices = #map1}, {transform_indices = #map}]} {
    %mul3A = arith.constant 1 : i32
    %mul3A_0 = arith.muli %arg1, %mul3A : i32
    %add3A = arith.addi %mul3A_0, %arg0 : i32
    %mul3A_1 = arith.constant 64 : i32
    %mul3A_2 = arith.muli %add3A, %mul3A_1 : i32
    %div3A = arith.constant 128 : i32
    %div3A_3 = arith.divsi %mul3A_2, %div3A : i32
    %mul3A_4 = arith.constant 64 : i32
    %mul3A_5 = arith.muli %add3A, %mul3A_4 : i32
    %rem3A = arith.constant 128 : i32
    %rem3A_6 = arith.remsi %mul3A_5, %rem3A : i32
    %mul3A_7 = arith.constant 64 : i32
    %mul3A_8 = arith.muli %add3A, %mul3A_7 : i32
    %dma_start3A = tpu.memref_slice %arg3[%mul3A_8] : memref<1024xi32, #tpu.memory_space<hbm>> -> memref<64xi32, #tpu.memory_space<hbm>>
    %dma_start3A_9 = tpu.memref_slice %arg3[%mul3A_8] : memref<1024xi32, #tpu.memory_space<hbm>> -> memref<64xi32, #tpu.memory_space<hbm>>
    tpu.enqueue_dma source(%dma_start3A_9 : memref<64xi32, #tpu.memory_space<hbm>>) target(%arg6 : memref<64xi32, #tpu.memory_space<vmem>>) target_semaphore(%arg11 : memref<!tpu.dma_semaphore, #tpu.memory_space<semaphore_mem>>)
    %mul3A_10 = arith.constant 64 : i32
    %mul3A_11 = arith.muli %add3A, %mul3A_10 : i32
    %dma_start3A_12 = tpu.memref_slice %arg4[%mul3A_11] : memref<1024xi32, #tpu.memory_space<hbm>> -> memref<64xi32, #tpu.memory_space<hbm>>
    %dma_start3A_13 = tpu.memref_slice %arg4[%mul3A_11] : memref<1024xi32, #tpu.memory_space<hbm>> -> memref<64xi32, #tpu.memory_space<hbm>>
    tpu.enqueue_dma source(%dma_start3A_13 : memref<64xi32, #tpu.memory_space<hbm>>) target(%arg7 : memref<64xi32, #tpu.memory_space<vmem>>) target_semaphore(%arg12 : memref<!tpu.dma_semaphore, #tpu.memory_space<semaphore_mem>>)
    %dma_wait3A = tpu.memref_slice %arg3[%mul3A_8] : memref<1024xi32, #tpu.memory_space<hbm>> -> memref<64xi32, #tpu.memory_space<hbm>>
    %dma_wait3A_14 = tpu.memref_slice %arg3[%mul3A_8] : memref<1024xi32, #tpu.memory_space<hbm>> -> memref<64xi32, #tpu.memory_space<hbm>>
    tpu.wait_dma2 semaphore(%arg11 : memref<!tpu.dma_semaphore, #tpu.memory_space<semaphore_mem>>) src(%dma_wait3A_14 : memref<64xi32, #tpu.memory_space<hbm>>) dst(%arg6 : memref<64xi32, #tpu.memory_space<vmem>>)
    %iota3A = tpu.iota {dimensions = array<i32: 0>} : vector<16xi32>
    %mul3A_15 = arith.constant 72 : i32
    %mul3A_16 = arith.muli %div3A_3, %mul3A_15 : i32
    %get3A = arith.constant 0 : index
    %get3A_17 = tpu.vector_load %arg6[%get3A] {strides = array<i32>} : memref<64xi32, #tpu.memory_space<vmem>>, vector<16xi32>,
    %add3A_18 = vector.broadcast %mul3A_16 : i32 to vector<16xi32>
    %add3A_19 = arith.addi %add3A_18, %get3A_17 : vector<16xi32>
    %swap3A = arith.constant 0 : index
    %swap3A_20 = tpu.vector_load %arg8[%swap3A] {strides = array<i32>} : memref<64xi32, #tpu.memory_space<vmem>>, vector<16xi32>,
    tpu.vector_store %arg8[%swap3A], %add3A_19 {strides = array<i32>} : memref<64xi32, #tpu.memory_space<vmem>>, vector<16xi32>,
    %add3A_21 = arith.constant 0 : i32
    %add3A_22 = arith.addi %rem3A_6, %add3A_21 : i32
    %add3A_23 = vector.broadcast %add3A_22 : i32 to vector<16xi32>
    %add3A_24 = arith.addi %add3A_23, %iota3A : vector<16xi32>
    %mul3A_25 = arith.constant 8 : i32
    %mul3A_26 = vector.broadcast %mul3A_25 : i32 to vector<16xi32>
    %mul3A_27 = arith.muli %add3A_24, %mul3A_26 : vector<16xi32>
    %add3A_28 = vector.broadcast %div3A_3 : i32 to vector<16xi32>
    %add3A_29 = arith.addi %mul3A_27, %add3A_28 : vector<16xi32>
    %swap3A_30 = arith.constant 0 : index
    %swap3A_31 = tpu.vector_load %arg9[%swap3A_30] {strides = array<i32>} : memref<64xi32, #tpu.memory_space<vmem>>, vector<16xi32>,
    tpu.vector_store %arg9[%swap3A_30], %add3A_29 {strides = array<i32>} : memref<64xi32, #tpu.memory_space<vmem>>, vector<16xi32>,
    %mul3A_32 = arith.constant 72 : i32
    %mul3A_33 = arith.muli %div3A_3, %mul3A_32 : i32
    %get3A_34 = arith.constant 16 : index
    %get3A_35 = tpu.vector_load %arg6[%get3A_34] {strides = array<i32>} : memref<64xi32, #tpu.memory_space<vmem>>, vector<16xi32>,
    %add3A_36 = vector.broadcast %mul3A_33 : i32 to vector<16xi32>
    %add3A_37 = arith.addi %add3A_36, %get3A_35 : vector<16xi32>
    %swap3A_38 = arith.constant 16 : index
    %swap3A_39 = tpu.vector_load %arg8[%swap3A_38] {strides = array<i32>} : memref<64xi32, #tpu.memory_space<vmem>>, vector<16xi32>,
    tpu.vector_store %arg8[%swap3A_38], %add3A_37 {strides = array<i32>} : memref<64xi32, #tpu.memory_space<vmem>>, vector<16xi32>,
    %add3A_40 = arith.constant 16 : i32
    %add3A_41 = arith.addi %rem3A_6, %add3A_40 : i32
    %add3A_42 = vector.broadcast %add3A_41 : i32 to vector<16xi32>
    %add3A_43 = arith.addi %add3A_42, %iota3A : vector<16xi32>
    %mul3A_44 = arith.constant 8 : i32
    %mul3A_45 = vector.broadcast %mul3A_44 : i32 to vector<16xi32>
    %mul3A_46 = arith.muli %add3A_43, %mul3A_45 : vector<16xi32>
    %add3A_47 = vector.broadcast %div3A_3 : i32 to vector<16xi32>
    %add3A_48 = arith.addi %mul3A_46, %add3A_47 : vector<16xi32>
    %swap3A_49 = arith.constant 16 : index
    %swap3A_50 = tpu.vector_load %arg9[%swap3A_49] {strides = array<i32>} : memref<64xi32, #tpu.memory_space<vmem>>, vector<16xi32>,
    tpu.vector_store %arg9[%swap3A_49], %add3A_48 {strides = array<i32>} : memref<64xi32, #tpu.memory_space<vmem>>, vector<16xi32>,
    %mul3A_51 = arith.constant 72 : i32
    %mul3A_52 = arith.muli %div3A_3, %mul3A_51 : i32
    %get3A_53 = arith.constant 32 : index
    %get3A_54 = tpu.vector_load %arg6[%get3A_53] {strides = array<i32>} : memref<64xi32, #tpu.memory_space<vmem>>, vector<16xi32>,
    %add3A_55 = vector.broadcast %mul3A_52 : i32 to vector<16xi32>
    %add3A_56 = arith.addi %add3A_55, %get3A_54 : vector<16xi32>
    %swap3A_57 = arith.constant 32 : index
    %swap3A_58 = tpu.vector_load %arg8[%swap3A_57] {strides = array<i32>} : memref<64xi32, #tpu.memory_space<vmem>>, vector<16xi32>,
    tpu.vector_store %arg8[%swap3A_57], %add3A_56 {strides = array<i32>} : memref<64xi32, #tpu.memory_space<vmem>>, vector<16xi32>,
    %add3A_59 = arith.constant 32 : i32
    %add3A_60 = arith.addi %rem3A_6, %add3A_59 : i32
    %add3A_61 = vector.broadcast %add3A_60 : i32 to vector<16xi32>
    %add3A_62 = arith.addi %add3A_61, %iota3A : vector<16xi32>
    %mul3A_63 = arith.constant 8 : i32
    %mul3A_64 = vector.broadcast %mul3A_63 : i32 to vector<16xi32>
    %mul3A_65 = arith.muli %add3A_62, %mul3A_64 : vector<16xi32>
    %add3A_66 = vector.broadcast %div3A_3 : i32 to vector<16xi32>
    %add3A_67 = arith.addi %mul3A_65, %add3A_66 : vector<16xi32>
    %swap3A_68 = arith.constant 32 : index
    %swap3A_69 = tpu.vector_load %arg9[%swap3A_68] {strides = array<i32>} : memref<64xi32, #tpu.memory_space<vmem>>, vector<16xi32>,
    tpu.vector_store %arg9[%swap3A_68], %add3A_67 {strides = array<i32>} : memref<64xi32, #tpu.memory_space<vmem>>, vector<16xi32>,
    %mul3A_70 = arith.constant 72 : i32
    %mul3A_71 = arith.muli %div3A_3, %mul3A_70 : i32
    %get3A_72 = arith.constant 48 : index
    %get3A_73 = tpu.vector_load %arg6[%get3A_72] {strides = array<i32>} : memref<64xi32, #tpu.memory_space<vmem>>, vector<16xi32>,
    %add3A_74 = vector.broadcast %mul3A_71 : i32 to vector<16xi32>
    %add3A_75 = arith.addi %add3A_74, %get3A_73 : vector<16xi32>
    %swap3A_76 = arith.constant 48 : index
    %swap3A_77 = tpu.vector_load %arg8[%swap3A_76] {strides = array<i32>} : memref<64xi32, #tpu.memory_space<vmem>>, vector<16xi32>,
    tpu.vector_store %arg8[%swap3A_76], %add3A_75 {strides = array<i32>} : memref<64xi32, #tpu.memory_space<vmem>>, vector<16xi32>,
    %add3A_78 = arith.constant 48 : i32
    %add3A_79 = arith.addi %rem3A_6, %add3A_78 : i32
    %add3A_80 = vector.broadcast %add3A_79 : i32 to vector<16xi32>
    %add3A_81 = arith.addi %add3A_80, %iota3A : vector<16xi32>
    %mul3A_82 = arith.constant 8 : i32
    %mul3A_83 = vector.broadcast %mul3A_82 : i32 to vector<16xi32>
    %mul3A_84 = arith.muli %add3A_81, %mul3A_83 : vector<16xi32>
    %add3A_85 = vector.broadcast %div3A_3 : i32 to vector<16xi32>
    %add3A_86 = arith.addi %mul3A_84, %add3A_85 : vector<16xi32>
    %swap3A_87 = arith.constant 48 : index
    %swap3A_88 = tpu.vector_load %arg9[%swap3A_87] {strides = array<i32>} : memref<64xi32, #tpu.memory_space<vmem>>, vector<16xi32>,
    tpu.vector_store %arg9[%swap3A_87], %add3A_86 {strides = array<i32>} : memref<64xi32, #tpu.memory_space<vmem>>, vector<16xi32>,
    %dma_start3A_89 = arith.constant 0 : i32
    %dma_start3A_90 = arith.constant 0 : i32
    %dma_start3A_91 = tpu.memref_slice %arg2[%dma_start3A_89, %dma_start3A_90] : memref<576x128xf32, #tpu.memory_space<hbm>> -> memref<576x128xf32, #tpu.memory_space<hbm>>
    tpu.enqueue_indirect_dma source(%dma_start3A_91 : memref<576x128xf32, #tpu.memory_space<hbm>>) target(%arg10 : memref<64x128xf32, #tpu.memory_space<vmem>>) offsets(%arg8 : memref<64xi32, #tpu.memory_space<vmem>>) semaphore(%arg13 : memref<!tpu.dma_semaphore, #tpu.memory_space<semaphore_mem>>)
    %dma_wait3A_92 = arith.constant 0 : i32
    %dma_wait3A_93 = arith.constant 0 : i32
    %dma_wait3A_94 = tpu.memref_slice %arg2[%dma_wait3A_92, %dma_wait3A_93] : memref<576x128xf32, #tpu.memory_space<hbm>> -> memref<576x128xf32, #tpu.memory_space<hbm>>
    tpu.wait_indirect_dma semaphore(%arg13 : memref<!tpu.dma_semaphore, #tpu.memory_space<semaphore_mem>>) src(%dma_wait3A_94 : memref<576x128xf32, #tpu.memory_space<hbm>>) dst(%arg10 : memref<64x128xf32, #tpu.memory_space<vmem>>)
    %dma_wait3A_95 = tpu.memref_slice %arg4[%mul3A_11] : memref<1024xi32, #tpu.memory_space<hbm>> -> memref<64xi32, #tpu.memory_space<hbm>>
    %dma_wait3A_96 = tpu.memref_slice %arg4[%mul3A_11] : memref<1024xi32, #tpu.memory_space<hbm>> -> memref<64xi32, #tpu.memory_space<hbm>>
    tpu.wait_dma2 semaphore(%arg12 : memref<!tpu.dma_semaphore, #tpu.memory_space<semaphore_mem>>) src(%dma_wait3A_96 : memref<64xi32, #tpu.memory_space<hbm>>) dst(%arg7 : memref<64xi32, #tpu.memory_space<vmem>>)
    %broadcast_in_dim3A = arith.constant 65 : i32
    %broadcast_in_dim3A_97 = vector.broadcast %broadcast_in_dim3A : i32 to vector<16xi32>
    %broadcast_in_dim3A_98 = arith.constant 0.000000e+00 : f32
    %broadcast_in_dim3A_99 = vector.broadcast %broadcast_in_dim3A_98 : f32 to vector<16xf32>
    %add3A_100 = arith.constant 0 : i32
    %add3A_101 = vector.broadcast %add3A_100 : i32 to vector<16xi32>
    %add3A_102 = arith.addi %iota3A, %add3A_101 : vector<16xi32>
    %gather3A = tpu.vector_load_idx %arg10[%add3A_102, %broadcast_in_dim3A_97] : memref<64x128xf32, #tpu.memory_space<vmem>>[vector<16xi32>, vector<16xi32>], vector<16xf32>,
    %get3A_103 = arith.constant 0 : index
    %get3A_104 = tpu.vector_load %arg7[%get3A_103] {strides = array<i32>} : memref<64xi32, #tpu.memory_space<vmem>>, vector<16xi32>,
    %gather3A_105 = tpu.vector_load_idx %arg10[%add3A_102, %get3A_104] : memref<64x128xf32, #tpu.memory_space<vmem>>[vector<16xi32>, vector<16xi32>], vector<16xf32>,
    %sub3A = arith.subf %gather3A, %gather3A_105 : vector<16xf32>
    %add3A_106 = arith.addf %broadcast_in_dim3A_99, %sub3A : vector<16xf32>
    %add3A_107 = arith.constant 16 : i32
    %add3A_108 = vector.broadcast %add3A_107 : i32 to vector<16xi32>
    %add3A_109 = arith.addi %iota3A, %add3A_108 : vector<16xi32>
    %gather3A_110 = tpu.vector_load_idx %arg10[%add3A_109, %broadcast_in_dim3A_97] : memref<64x128xf32, #tpu.memory_space<vmem>>[vector<16xi32>, vector<16xi32>], vector<16xf32>,
    %get3A_111 = arith.constant 16 : index
    %get3A_112 = tpu.vector_load %arg7[%get3A_111] {strides = array<i32>} : memref<64xi32, #tpu.memory_space<vmem>>, vector<16xi32>,
    %gather3A_113 = tpu.vector_load_idx %arg10[%add3A_109, %get3A_112] : memref<64x128xf32, #tpu.memory_space<vmem>>[vector<16xi32>, vector<16xi32>], vector<16xf32>,
    %sub3A_114 = arith.subf %gather3A_110, %gather3A_113 : vector<16xf32>
    %add3A_115 = arith.addf %add3A_106, %sub3A_114 : vector<16xf32>
    %add3A_116 = arith.constant 32 : i32
    %add3A_117 = vector.broadcast %add3A_116 : i32 to vector<16xi32>
    %add3A_118 = arith.addi %iota3A, %add3A_117 : vector<16xi32>
    %gather3A_119 = tpu.vector_load_idx %arg10[%add3A_118, %broadcast_in_dim3A_97] : memref<64x128xf32, #tpu.memory_space<vmem>>[vector<16xi32>, vector<16xi32>], vector<16xf32>,
    %get3A_120 = arith.constant 32 : index
    %get3A_121 = tpu.vector_load %arg7[%get3A_120] {strides = array<i32>} : memref<64xi32, #tpu.memory_space<vmem>>, vector<16xi32>,
    %gather3A_122 = tpu.vector_load_idx %arg10[%add3A_118, %get3A_121] : memref<64x128xf32, #tpu.memory_space<vmem>>[vector<16xi32>, vector<16xi32>], vector<16xf32>,
    %sub3A_123 = arith.subf %gather3A_119, %gather3A_122 : vector<16xf32>
    %add3A_124 = arith.addf %add3A_115, %sub3A_123 : vector<16xf32>
    %add3A_125 = arith.constant 48 : i32
    %add3A_126 = vector.broadcast %add3A_125 : i32 to vector<16xi32>
    %add3A_127 = arith.addi %iota3A, %add3A_126 : vector<16xi32>
    %gather3A_128 = tpu.vector_load_idx %arg10[%add3A_127, %broadcast_in_dim3A_97] : memref<64x128xf32, #tpu.memory_space<vmem>>[vector<16xi32>, vector<16xi32>], vector<16xf32>,
    %get3A_129 = arith.constant 48 : index
    %get3A_130 = tpu.vector_load %arg7[%get3A_129] {strides = array<i32>} : memref<64xi32, #tpu.memory_space<vmem>>, vector<16xi32>,
    %gather3A_131 = tpu.vector_load_idx %arg10[%add3A_127, %get3A_130] : memref<64x128xf32, #tpu.memory_space<vmem>>[vector<16xi32>, vector<16xi32>], vector<16xf32>,
    %sub3A_132 = arith.subf %gather3A_128, %gather3A_131 : vector<16xf32>
    %add3A_133 = arith.addf %add3A_124, %sub3A_132 : vector<16xf32>
    %mul3A_134 = arith.constant 9.765625E-4 : f32
    %mul3A_135 = vector.broadcast %mul3A_134 : f32 to vector<16xf32>
    %mul3A_136 = arith.mulf %add3A_133, %mul3A_135 : vector<16xf32>
    %swap3A_137 = arith.constant 0 : i32
    %swap3A_138 = arith.index_cast %swap3A_137 : i32 to index
    %swap3A_139 = arith.constant 80 : index
    %swap3A_140 = tpu.vector_load %arg10[%swap3A_138, %swap3A_139] {strides = array<i32>} : memref<64x128xf32, #tpu.memory_space<vmem>>, vector<16xf32>,
    tpu.vector_store %arg10[%swap3A_138, %swap3A_139], %mul3A_136 {strides = array<i32>} : memref<64x128xf32, #tpu.memory_space<vmem>>, vector<16xf32>,
    %dma_start3A_141 = arith.constant 0 : i32
    %dma_start3A_142 = arith.constant 0 : i32
    %dma_start3A_143 = tpu.memref_slice %arg5[%dma_start3A_141, %dma_start3A_142] : memref<1024x128xf32, #tpu.memory_space<hbm>> -> memref<1024x128xf32, #tpu.memory_space<hbm>>
    tpu.enqueue_indirect_dma source(%arg10 : memref<64x128xf32, #tpu.memory_space<vmem>>) target(%dma_start3A_143 : memref<1024x128xf32, #tpu.memory_space<hbm>>) offsets(%arg9 : memref<64xi32, #tpu.memory_space<vmem>>) semaphore(%arg13 : memref<!tpu.dma_semaphore, #tpu.memory_space<semaphore_mem>>)
    %dma_wait3A_144 = arith.constant 0 : i32
    %dma_wait3A_145 = arith.constant 0 : i32
    %dma_wait3A_146 = tpu.memref_slice %arg5[%dma_wait3A_144, %dma_wait3A_145] : memref<1024x128xf32, #tpu.memory_space<hbm>> -> memref<1024x128xf32, #tpu.memory_space<hbm>>
    tpu.wait_indirect_dma semaphore(%arg13 : memref<!tpu.dma_semaphore, #tpu.memory_space<semaphore_mem>>) src(%arg10 : memref<64x128xf32, #tpu.memory_space<vmem>>) dst(%dma_wait3A_146 : memref<1024x128xf32, #tpu.memory_space<hbm>>)
    return
  }
}

module attributes {stable_mosaic.version = 14 : i64} {
  func.func @_tc_body(%arg0: memref<32x65xf32, #tpu.memory_space<vmem>>, %arg1: memref<8x32xf32, #tpu.memory_space<vmem>>, %arg2: memref<32x65xf32, #tpu.memory_space<vmem>>, %arg3: memref<65xf32, #tpu.memory_space<vmem>>, %arg4: memref<576x128xf32, #tpu.memory_space<vmem>>) attributes {dimension_semantics = [], scalar_prefetch = 0 : i64, scratch_operands = 0 : i64, tpu.core_type = #tpu.core_type<tc>} {
    %get3A = arith.constant 0 : index
    %get3A_0 = arith.constant 0 : index
    %get3A_1 = vector.load %arg2[%get3A, %get3A_0] : memref<32x65xf32, #tpu.memory_space<vmem>>, vector<32x65xf32>
    %get3A_2 = arith.constant 0 : index
    %get3A_3 = arith.constant 0 : index
    %get3A_4 = vector.load %arg0[%get3A_2, %get3A_3] : memref<32x65xf32, #tpu.memory_space<vmem>>, vector<32x65xf32>
    %dot_general3A = arith.constant dense<0.000000e+00> : vector<65x65xf32>
    %dot_general3A_5 = tpu.matmul %get3A_4, %get3A_1, %dot_general3A {dimension_numbers = #tpu.dot_dimension_numbers<[0], [0], [1], [1], [0, 1, 1, 1], [], []>, precision = #tpu.contract_precision<fp32>, transpose_lhs_hint = false} : vector<32x65xf32>, vector<32x65xf32>, vector<65x65xf32> -> vector<65x65xf32>
    %get3A_6 = arith.constant 0 : index
    %get3A_7 = vector.load %arg3[%get3A_6] : memref<65xf32, #tpu.memory_space<vmem>>, vector<65xf32>
    %broadcast_in_dim3A = vector.shape_cast %get3A_7 : vector<65xf32> to vector<1x65xf32>
    %add3A = vector.broadcast %broadcast_in_dim3A : vector<1x65xf32> to vector<65x65xf32>
    %add3A_8 = arith.addf %dot_general3A_5, %add3A : vector<65x65xf32>
    %get3A_9 = arith.constant 0 : index
    %get3A_10 = arith.constant 0 : index
    %get3A_11 = vector.load %arg1[%get3A_9, %get3A_10] : memref<8x32xf32, #tpu.memory_space<vmem>>, vector<8x32xf32>
    %dot_general3A_12 = arith.constant dense<0.000000e+00> : vector<8x65xf32>
    %dot_general3A_13 = tpu.matmul %get3A_11, %get3A_1, %dot_general3A_12 {dimension_numbers = #tpu.dot_dimension_numbers<[1], [0], [0], [1], [0, 0, 1, 1], [], []>, precision = #tpu.contract_precision<fp32>, transpose_lhs_hint = false} : vector<8x32xf32>, vector<32x65xf32>, vector<8x65xf32> -> vector<8x65xf32>
    %slice3A = vector.extract_strided_slice %dot_general3A_13 {offsets = [0, 0], sizes = [1, 65], strides = [1, 1]} : vector<8x65xf32> to vector<1x65xf32>
    %add3A_14 = vector.broadcast %slice3A : vector<1x65xf32> to vector<65x65xf32>
    %add3A_15 = arith.addf %add3A_8, %add3A_14 : vector<65x65xf32>
    %reduce_max3A = arith.constant dense<0xFF800000> : vector<65xf32>
    %reduce_max3A_16 = vector.multi_reduction <maximumf>, %add3A_15, %reduce_max3A [1] : vector<65x65xf32> to vector<65xf32>
    %broadcast_in_dim3A_17 = vector.shape_cast %reduce_max3A_16 : vector<65xf32> to vector<65x1xf32>
    %sub3A = vector.broadcast %broadcast_in_dim3A_17 : vector<65x1xf32> to vector<65x65xf32>
    %sub3A_18 = arith.subf %add3A_15, %sub3A : vector<65x65xf32>
    %exp3A = math.exp %sub3A_18 : vector<65x65xf32>
    %reduce_sum3A = arith.constant dense<0.000000e+00> : vector<65xf32>
    %reduce_sum3A_19 = vector.multi_reduction <add>, %exp3A, %reduce_sum3A [1] : vector<65x65xf32> to vector<65xf32>
    %broadcast_in_dim3A_20 = vector.shape_cast %reduce_sum3A_19 : vector<65xf32> to vector<65x1xf32>
    %swap3A = arith.constant 0 : index
    %swap3A_21 = arith.constant 0 : index
    %swap3A_22 = vector.load %arg4[%swap3A, %swap3A_21] : memref<576x128xf32, #tpu.memory_space<vmem>>, vector<65x65xf32>
    tpu.vector_store %arg4[%swap3A, %swap3A_21], %add3A_15 {strides = array<i32>} : memref<576x128xf32, #tpu.memory_space<vmem>>, vector<65x65xf32>,
    %log3A = math.log %broadcast_in_dim3A_20 : vector<65x1xf32>
    %add3A_23 = arith.addf %broadcast_in_dim3A_17, %log3A : vector<65x1xf32>
    %swap3A_24 = arith.constant 0 : index
    %swap3A_25 = arith.constant 65 : index
    %swap3A_26 = vector.load %arg4[%swap3A_24, %swap3A_25] : memref<576x128xf32, #tpu.memory_space<vmem>>, vector<65x1xf32>
    tpu.vector_store %arg4[%swap3A_24, %swap3A_25], %add3A_23 {strides = array<i32>} : memref<576x128xf32, #tpu.memory_space<vmem>>, vector<65x1xf32>,
    %slice3A_27 = vector.extract_strided_slice %dot_general3A_13 {offsets = [1, 0], sizes = [1, 65], strides = [1, 1]} : vector<8x65xf32> to vector<1x65xf32>
    %add3A_28 = vector.broadcast %slice3A_27 : vector<1x65xf32> to vector<65x65xf32>
    %add3A_29 = arith.addf %add3A_8, %add3A_28 : vector<65x65xf32>
    %reduce_max3A_30 = arith.constant dense<0xFF800000> : vector<65xf32>
    %reduce_max3A_31 = vector.multi_reduction <maximumf>, %add3A_29, %reduce_max3A_30 [1] : vector<65x65xf32> to vector<65xf32>
    %broadcast_in_dim3A_32 = vector.shape_cast %reduce_max3A_31 : vector<65xf32> to vector<65x1xf32>
    %sub3A_33 = vector.broadcast %broadcast_in_dim3A_32 : vector<65x1xf32> to vector<65x65xf32>
    %sub3A_34 = arith.subf %add3A_29, %sub3A_33 : vector<65x65xf32>
    %exp3A_35 = math.exp %sub3A_34 : vector<65x65xf32>
    %reduce_sum3A_36 = arith.constant dense<0.000000e+00> : vector<65xf32>
    %reduce_sum3A_37 = vector.multi_reduction <add>, %exp3A_35, %reduce_sum3A_36 [1] : vector<65x65xf32> to vector<65xf32>
    %broadcast_in_dim3A_38 = vector.shape_cast %reduce_sum3A_37 : vector<65xf32> to vector<65x1xf32>
    %swap3A_39 = arith.constant 72 : index
    %swap3A_40 = arith.constant 0 : index
    %swap3A_41 = vector.load %arg4[%swap3A_39, %swap3A_40] : memref<576x128xf32, #tpu.memory_space<vmem>>, vector<65x65xf32>
    tpu.vector_store %arg4[%swap3A_39, %swap3A_40], %add3A_29 {strides = array<i32>} : memref<576x128xf32, #tpu.memory_space<vmem>>, vector<65x65xf32>,
    %log3A_42 = math.log %broadcast_in_dim3A_38 : vector<65x1xf32>
    %add3A_43 = arith.addf %broadcast_in_dim3A_32, %log3A_42 : vector<65x1xf32>
    %swap3A_44 = arith.constant 72 : index
    %swap3A_45 = arith.constant 65 : index
    %swap3A_46 = vector.load %arg4[%swap3A_44, %swap3A_45] : memref<576x128xf32, #tpu.memory_space<vmem>>, vector<65x1xf32>
    tpu.vector_store %arg4[%swap3A_44, %swap3A_45], %add3A_43 {strides = array<i32>} : memref<576x128xf32, #tpu.memory_space<vmem>>, vector<65x1xf32>,
    %slice3A_47 = vector.extract_strided_slice %dot_general3A_13 {offsets = [2, 0], sizes = [1, 65], strides = [1, 1]} : vector<8x65xf32> to vector<1x65xf32>
    %add3A_48 = vector.broadcast %slice3A_47 : vector<1x65xf32> to vector<65x65xf32>
    %add3A_49 = arith.addf %add3A_8, %add3A_48 : vector<65x65xf32>
    %reduce_max3A_50 = arith.constant dense<0xFF800000> : vector<65xf32>
    %reduce_max3A_51 = vector.multi_reduction <maximumf>, %add3A_49, %reduce_max3A_50 [1] : vector<65x65xf32> to vector<65xf32>
    %broadcast_in_dim3A_52 = vector.shape_cast %reduce_max3A_51 : vector<65xf32> to vector<65x1xf32>
    %sub3A_53 = vector.broadcast %broadcast_in_dim3A_52 : vector<65x1xf32> to vector<65x65xf32>
    %sub3A_54 = arith.subf %add3A_49, %sub3A_53 : vector<65x65xf32>
    %exp3A_55 = math.exp %sub3A_54 : vector<65x65xf32>
    %reduce_sum3A_56 = arith.constant dense<0.000000e+00> : vector<65xf32>
    %reduce_sum3A_57 = vector.multi_reduction <add>, %exp3A_55, %reduce_sum3A_56 [1] : vector<65x65xf32> to vector<65xf32>
    %broadcast_in_dim3A_58 = vector.shape_cast %reduce_sum3A_57 : vector<65xf32> to vector<65x1xf32>
    %swap3A_59 = arith.constant 144 : index
    %swap3A_60 = arith.constant 0 : index
    %swap3A_61 = vector.load %arg4[%swap3A_59, %swap3A_60] : memref<576x128xf32, #tpu.memory_space<vmem>>, vector<65x65xf32>
    tpu.vector_store %arg4[%swap3A_59, %swap3A_60], %add3A_49 {strides = array<i32>} : memref<576x128xf32, #tpu.memory_space<vmem>>, vector<65x65xf32>,
    %log3A_62 = math.log %broadcast_in_dim3A_58 : vector<65x1xf32>
    %add3A_63 = arith.addf %broadcast_in_dim3A_52, %log3A_62 : vector<65x1xf32>
    %swap3A_64 = arith.constant 144 : index
    %swap3A_65 = arith.constant 65 : index
    %swap3A_66 = vector.load %arg4[%swap3A_64, %swap3A_65] : memref<576x128xf32, #tpu.memory_space<vmem>>, vector<65x1xf32>
    tpu.vector_store %arg4[%swap3A_64, %swap3A_65], %add3A_63 {strides = array<i32>} : memref<576x128xf32, #tpu.memory_space<vmem>>, vector<65x1xf32>,
    %slice3A_67 = vector.extract_strided_slice %dot_general3A_13 {offsets = [3, 0], sizes = [1, 65], strides = [1, 1]} : vector<8x65xf32> to vector<1x65xf32>
    %add3A_68 = vector.broadcast %slice3A_67 : vector<1x65xf32> to vector<65x65xf32>
    %add3A_69 = arith.addf %add3A_8, %add3A_68 : vector<65x65xf32>
    %reduce_max3A_70 = arith.constant dense<0xFF800000> : vector<65xf32>
    %reduce_max3A_71 = vector.multi_reduction <maximumf>, %add3A_69, %reduce_max3A_70 [1] : vector<65x65xf32> to vector<65xf32>
    %broadcast_in_dim3A_72 = vector.shape_cast %reduce_max3A_71 : vector<65xf32> to vector<65x1xf32>
    %sub3A_73 = vector.broadcast %broadcast_in_dim3A_72 : vector<65x1xf32> to vector<65x65xf32>
    %sub3A_74 = arith.subf %add3A_69, %sub3A_73 : vector<65x65xf32>
    %exp3A_75 = math.exp %sub3A_74 : vector<65x65xf32>
    %reduce_sum3A_76 = arith.constant dense<0.000000e+00> : vector<65xf32>
    %reduce_sum3A_77 = vector.multi_reduction <add>, %exp3A_75, %reduce_sum3A_76 [1] : vector<65x65xf32> to vector<65xf32>
    %broadcast_in_dim3A_78 = vector.shape_cast %reduce_sum3A_77 : vector<65xf32> to vector<65x1xf32>
    %swap3A_79 = arith.constant 216 : index
    %swap3A_80 = arith.constant 0 : index
    %swap3A_81 = vector.load %arg4[%swap3A_79, %swap3A_80] : memref<576x128xf32, #tpu.memory_space<vmem>>, vector<65x65xf32>
    tpu.vector_store %arg4[%swap3A_79, %swap3A_80], %add3A_69 {strides = array<i32>} : memref<576x128xf32, #tpu.memory_space<vmem>>, vector<65x65xf32>,
    %log3A_82 = math.log %broadcast_in_dim3A_78 : vector<65x1xf32>
    %add3A_83 = arith.addf %broadcast_in_dim3A_72, %log3A_82 : vector<65x1xf32>
    %swap3A_84 = arith.constant 216 : index
    %swap3A_85 = arith.constant 65 : index
    %swap3A_86 = vector.load %arg4[%swap3A_84, %swap3A_85] : memref<576x128xf32, #tpu.memory_space<vmem>>, vector<65x1xf32>
    tpu.vector_store %arg4[%swap3A_84, %swap3A_85], %add3A_83 {strides = array<i32>} : memref<576x128xf32, #tpu.memory_space<vmem>>, vector<65x1xf32>,
    %slice3A_87 = vector.extract_strided_slice %dot_general3A_13 {offsets = [4, 0], sizes = [1, 65], strides = [1, 1]} : vector<8x65xf32> to vector<1x65xf32>
    %add3A_88 = vector.broadcast %slice3A_87 : vector<1x65xf32> to vector<65x65xf32>
    %add3A_89 = arith.addf %add3A_8, %add3A_88 : vector<65x65xf32>
    %reduce_max3A_90 = arith.constant dense<0xFF800000> : vector<65xf32>
    %reduce_max3A_91 = vector.multi_reduction <maximumf>, %add3A_89, %reduce_max3A_90 [1] : vector<65x65xf32> to vector<65xf32>
    %broadcast_in_dim3A_92 = vector.shape_cast %reduce_max3A_91 : vector<65xf32> to vector<65x1xf32>
    %sub3A_93 = vector.broadcast %broadcast_in_dim3A_92 : vector<65x1xf32> to vector<65x65xf32>
    %sub3A_94 = arith.subf %add3A_89, %sub3A_93 : vector<65x65xf32>
    %exp3A_95 = math.exp %sub3A_94 : vector<65x65xf32>
    %reduce_sum3A_96 = arith.constant dense<0.000000e+00> : vector<65xf32>
    %reduce_sum3A_97 = vector.multi_reduction <add>, %exp3A_95, %reduce_sum3A_96 [1] : vector<65x65xf32> to vector<65xf32>
    %broadcast_in_dim3A_98 = vector.shape_cast %reduce_sum3A_97 : vector<65xf32> to vector<65x1xf32>
    %swap3A_99 = arith.constant 288 : index
    %swap3A_100 = arith.constant 0 : index
    %swap3A_101 = vector.load %arg4[%swap3A_99, %swap3A_100] : memref<576x128xf32, #tpu.memory_space<vmem>>, vector<65x65xf32>
    tpu.vector_store %arg4[%swap3A_99, %swap3A_100], %add3A_89 {strides = array<i32>} : memref<576x128xf32, #tpu.memory_space<vmem>>, vector<65x65xf32>,
    %log3A_102 = math.log %broadcast_in_dim3A_98 : vector<65x1xf32>
    %add3A_103 = arith.addf %broadcast_in_dim3A_92, %log3A_102 : vector<65x1xf32>
    %swap3A_104 = arith.constant 288 : index
    %swap3A_105 = arith.constant 65 : index
    %swap3A_106 = vector.load %arg4[%swap3A_104, %swap3A_105] : memref<576x128xf32, #tpu.memory_space<vmem>>, vector<65x1xf32>
    tpu.vector_store %arg4[%swap3A_104, %swap3A_105], %add3A_103 {strides = array<i32>} : memref<576x128xf32, #tpu.memory_space<vmem>>, vector<65x1xf32>,
    %slice3A_107 = vector.extract_strided_slice %dot_general3A_13 {offsets = [5, 0], sizes = [1, 65], strides = [1, 1]} : vector<8x65xf32> to vector<1x65xf32>
    %add3A_108 = vector.broadcast %slice3A_107 : vector<1x65xf32> to vector<65x65xf32>
    %add3A_109 = arith.addf %add3A_8, %add3A_108 : vector<65x65xf32>
    %reduce_max3A_110 = arith.constant dense<0xFF800000> : vector<65xf32>
    %reduce_max3A_111 = vector.multi_reduction <maximumf>, %add3A_109, %reduce_max3A_110 [1] : vector<65x65xf32> to vector<65xf32>
    %broadcast_in_dim3A_112 = vector.shape_cast %reduce_max3A_111 : vector<65xf32> to vector<65x1xf32>
    %sub3A_113 = vector.broadcast %broadcast_in_dim3A_112 : vector<65x1xf32> to vector<65x65xf32>
    %sub3A_114 = arith.subf %add3A_109, %sub3A_113 : vector<65x65xf32>
    %exp3A_115 = math.exp %sub3A_114 : vector<65x65xf32>
    %reduce_sum3A_116 = arith.constant dense<0.000000e+00> : vector<65xf32>
    %reduce_sum3A_117 = vector.multi_reduction <add>, %exp3A_115, %reduce_sum3A_116 [1] : vector<65x65xf32> to vector<65xf32>
    %broadcast_in_dim3A_118 = vector.shape_cast %reduce_sum3A_117 : vector<65xf32> to vector<65x1xf32>
    %swap3A_119 = arith.constant 360 : index
    %swap3A_120 = arith.constant 0 : index
    %swap3A_121 = vector.load %arg4[%swap3A_119, %swap3A_120] : memref<576x128xf32, #tpu.memory_space<vmem>>, vector<65x65xf32>
    tpu.vector_store %arg4[%swap3A_119, %swap3A_120], %add3A_109 {strides = array<i32>} : memref<576x128xf32, #tpu.memory_space<vmem>>, vector<65x65xf32>,
    %log3A_122 = math.log %broadcast_in_dim3A_118 : vector<65x1xf32>
    %add3A_123 = arith.addf %broadcast_in_dim3A_112, %log3A_122 : vector<65x1xf32>
    %swap3A_124 = arith.constant 360 : index
    %swap3A_125 = arith.constant 65 : index
    %swap3A_126 = vector.load %arg4[%swap3A_124, %swap3A_125] : memref<576x128xf32, #tpu.memory_space<vmem>>, vector<65x1xf32>
    tpu.vector_store %arg4[%swap3A_124, %swap3A_125], %add3A_123 {strides = array<i32>} : memref<576x128xf32, #tpu.memory_space<vmem>>, vector<65x1xf32>,
    %slice3A_127 = vector.extract_strided_slice %dot_general3A_13 {offsets = [6, 0], sizes = [1, 65], strides = [1, 1]} : vector<8x65xf32> to vector<1x65xf32>
    %add3A_128 = vector.broadcast %slice3A_127 : vector<1x65xf32> to vector<65x65xf32>
    %add3A_129 = arith.addf %add3A_8, %add3A_128 : vector<65x65xf32>
    %reduce_max3A_130 = arith.constant dense<0xFF800000> : vector<65xf32>
    %reduce_max3A_131 = vector.multi_reduction <maximumf>, %add3A_129, %reduce_max3A_130 [1] : vector<65x65xf32> to vector<65xf32>
    %broadcast_in_dim3A_132 = vector.shape_cast %reduce_max3A_131 : vector<65xf32> to vector<65x1xf32>
    %sub3A_133 = vector.broadcast %broadcast_in_dim3A_132 : vector<65x1xf32> to vector<65x65xf32>
    %sub3A_134 = arith.subf %add3A_129, %sub3A_133 : vector<65x65xf32>
    %exp3A_135 = math.exp %sub3A_134 : vector<65x65xf32>
    %reduce_sum3A_136 = arith.constant dense<0.000000e+00> : vector<65xf32>
    %reduce_sum3A_137 = vector.multi_reduction <add>, %exp3A_135, %reduce_sum3A_136 [1] : vector<65x65xf32> to vector<65xf32>
    %broadcast_in_dim3A_138 = vector.shape_cast %reduce_sum3A_137 : vector<65xf32> to vector<65x1xf32>
    %swap3A_139 = arith.constant 432 : index
    %swap3A_140 = arith.constant 0 : index
    %swap3A_141 = vector.load %arg4[%swap3A_139, %swap3A_140] : memref<576x128xf32, #tpu.memory_space<vmem>>, vector<65x65xf32>
    tpu.vector_store %arg4[%swap3A_139, %swap3A_140], %add3A_129 {strides = array<i32>} : memref<576x128xf32, #tpu.memory_space<vmem>>, vector<65x65xf32>,
    %log3A_142 = math.log %broadcast_in_dim3A_138 : vector<65x1xf32>
    %add3A_143 = arith.addf %broadcast_in_dim3A_132, %log3A_142 : vector<65x1xf32>
    %swap3A_144 = arith.constant 432 : index
    %swap3A_145 = arith.constant 65 : index
    %swap3A_146 = vector.load %arg4[%swap3A_144, %swap3A_145] : memref<576x128xf32, #tpu.memory_space<vmem>>, vector<65x1xf32>
    tpu.vector_store %arg4[%swap3A_144, %swap3A_145], %add3A_143 {strides = array<i32>} : memref<576x128xf32, #tpu.memory_space<vmem>>, vector<65x1xf32>,
    %slice3A_147 = vector.extract_strided_slice %dot_general3A_13 {offsets = [7, 0], sizes = [1, 65], strides = [1, 1]} : vector<8x65xf32> to vector<1x65xf32>
    %add3A_148 = vector.broadcast %slice3A_147 : vector<1x65xf32> to vector<65x65xf32>
    %add3A_149 = arith.addf %add3A_8, %add3A_148 : vector<65x65xf32>
    %reduce_max3A_150 = arith.constant dense<0xFF800000> : vector<65xf32>
    %reduce_max3A_151 = vector.multi_reduction <maximumf>, %add3A_149, %reduce_max3A_150 [1] : vector<65x65xf32> to vector<65xf32>
    %broadcast_in_dim3A_152 = vector.shape_cast %reduce_max3A_151 : vector<65xf32> to vector<65x1xf32>
    %sub3A_153 = vector.broadcast %broadcast_in_dim3A_152 : vector<65x1xf32> to vector<65x65xf32>
    %sub3A_154 = arith.subf %add3A_149, %sub3A_153 : vector<65x65xf32>
    %exp3A_155 = math.exp %sub3A_154 : vector<65x65xf32>
    %reduce_sum3A_156 = arith.constant dense<0.000000e+00> : vector<65xf32>
    %reduce_sum3A_157 = vector.multi_reduction <add>, %exp3A_155, %reduce_sum3A_156 [1] : vector<65x65xf32> to vector<65xf32>
    %broadcast_in_dim3A_158 = vector.shape_cast %reduce_sum3A_157 : vector<65xf32> to vector<65x1xf32>
    %swap3A_159 = arith.constant 504 : index
    %swap3A_160 = arith.constant 0 : index
    %swap3A_161 = vector.load %arg4[%swap3A_159, %swap3A_160] : memref<576x128xf32, #tpu.memory_space<vmem>>, vector<65x65xf32>
    tpu.vector_store %arg4[%swap3A_159, %swap3A_160], %add3A_149 {strides = array<i32>} : memref<576x128xf32, #tpu.memory_space<vmem>>, vector<65x65xf32>,
    %log3A_162 = math.log %broadcast_in_dim3A_158 : vector<65x1xf32>
    %add3A_163 = arith.addf %broadcast_in_dim3A_152, %log3A_162 : vector<65x1xf32>
    %swap3A_164 = arith.constant 504 : index
    %swap3A_165 = arith.constant 65 : index
    %swap3A_166 = vector.load %arg4[%swap3A_164, %swap3A_165] : memref<576x128xf32, #tpu.memory_space<vmem>>, vector<65x1xf32>
    tpu.vector_store %arg4[%swap3A_164, %swap3A_165], %add3A_163 {strides = array<i32>} : memref<576x128xf32, #tpu.memory_space<vmem>>, vector<65x1xf32>,
    return
  }
}

</mosaic_0001>

<sc_bundles>
// kernel: kernel.4.cloned.1.call-start
scs
__scs_entry_jumppad:
0x0: {  	(pc) =	sbr.rel $0x88, $3  }
0x1: {  	(tag) =	ssettag $0x0;
	lr =	simm.s32 $0x1  }
0x2: {  	[smem:$0x3F9B] =	sst lr;
	_ =	strace $0xD0000000  }
0x3: {  	_ = 	snop  }
0x4: {  	_ = 	snop  }
0x5: {  	_ = 	snop  }
0x6: {  	_ = 	snop  }
0x7: {  	_ = 	snop  }
__scs_overlays_trampoline_lowered:
0x8: {  	[smem:$0x3FAA] =	sst s0  }
0x9: {  	[smem:$0x3FAB] =	sst s1  }
0xa: {  	[smem:$0x3FAC] =	sst s2  }
0xb: {  	[smem:$0x3FAD] =	sst s3  }
0xc: {  	[smem:$0x3FAE] =	sst s4  }
0xd: {  	[smem:$0x3FAF] =	sst s5  }
0xe: {  	[smem:$0x3FB0] =	sst s6  }
0xf: {  	[smem:$0x3FB1] =	sst s7  }
0x10: {  	[smem:$0x3FB2] =	sst s8  }
0x11: {  	[smem:$0x3FB3] =	sst s9;
	s0 =	simm.s32 @!p0 $0x0  }
0x12: {  	s1 =	sld [smem:$0x3F99];
	s0 =	simm.s32 @p0 $0x1  }
0x13: {  	[smem:$0x3FB4] =	sst s0;
	s0 =	simm.s32 @!p1 $0x0  }
0x14: {  	s2 =	sld [smem:$0x3F98];
	s0 =	simm.s32 @p1 $0x1  }
0x15: {  	[smem:$0x3FB5] =	sst s0;
	s0 =	simm.s32 @!p2 $0x0  }
0x16: {  	s3 =	sld [smem:$0x3FDB];
	s0 =	simm.s32 @p2 $0x1  }
0x17: {  	s4 =	simm.s32 $0x1BF5;
	[smem:$0x3FB7] =	sst s0  }
0x18: {  	s0 =	sld [smem:$0x3F9A];
	_ =	swait.ge [sflag:s4], $0x0  }
0x19: {  	s7 =	sld [smem:$0x3F9B]  }
0x1a: {  	s8 =	sadd.s32 $0xFFFFE003, lr  }
0x1b: {  	s9 =	sadd.s32 $0xFFFFFEF7, lr;
	s5 =	simm.s32 $0xFFFFFFFF;
	p2 =	slt.u32 s8, $0xFFFFF086  }
0x1c: {  	p1 =	slt.u32 s9, $0xF7A;
	s5 =	simm.s32 @!p2 $0x0  }
0x1d: {  	s5 =	simm.s32 @p1 $0x1;
	p0 =	seq.s32 s7, s2  }
0x1e: {  	s7 =	smul.u32 @!p0 $0xF7A, s2;
	p2 =	seq.s32 @!p0 s5, $0x0  }
0x1f: {  	s9 =	smul.u32 $0xF7A, s1;
	s8 =	simm.s32 @!p0 $0x1BF5;
	p2 =	por !p2, p0  }
0x20: {  	[sflag:s8] =	ssyncset.s32 @!p0 $0xFFFFF086;
	s6 =	sadd.s32 @!p0 s3, s7;
	s7 =	simm.s32 @!p0 $0x108  }
0x21: {  	s3 =	sadd.s32 s3, s9;
	s6 =	sadd.s32 @!p0 $0x88, s6;
	s7 =	simm.s32 @p2 $0x1082  }
0x22: {  	[simem:s7], [sflag:s8] =	dma.local @!p0 [hbm:s6], $0xF7A  }
0x23: {  	s9 =	sor.u32 $0xD0000000, s2;
	s6 =	simm.s32 $0x108;
	_ =	swait.ge @!p0 [sflag:s8], $0x0  }
0x24: {  	s3 =	sadd.s32 $0x88, s3;
	s6 =	simm.s32 @!p1 $0x1082;
	[sflag:s4] =	ssyncset.s32 $0xFFFFF086  }
0x25: {  	[simem:s6], [sflag:s4] =	dma.local [hbm:s3], $0xF7A  }
0x26: {  	[smem:$0x3F9B] =	sst s1;
	(tag) =	ssettag s2;
	_ =	strace s9  }
0x27: {  	s1 =	sld [smem:$0x3FAB]  }
0x28: {  	s2 =	sld [smem:$0x3FAC]  }
0x29: {  	s4 =	sld [smem:$0x3FAE]  }
0x2a: {  	p0 =	seq.s32 s5, $0x0;
	s5 =	sld [smem:$0x3FAF]  }
0x2b: {  	s6 =	sld [smem:$0x3FB0]  }
0x2c: {  	s7 =	sld [smem:$0x3FB1]  }
0x2d: {  	s3 =	simm.s32 $0x108;
	s8 =	sld [smem:$0x3FB2]  }
0x2e: {  	s3 =	simm.s32 @!p0 $0x1082;
	s9 =	sld [smem:$0x3FB3]  }
0x2f: {  	lr =	sadd.s32 s0, s3;
	s0 =	sld [smem:$0x3FAA]  }
0x30: {  	s3 =	sld [smem:$0x3FAD]  }
0x31: {  	[smem:$0x3FB6] =	sst s10  }
0x32: {  	s10 =	sld [smem:$0x3FB4];
	_ =	sdelay $0x3  }
0x33: {  	p0 =	seq.s32 s10, $0x1;
	s10 =	sld [smem:$0x3FB6];
	_ =	sdelay $0x3  }
0x34: {  	[smem:$0x3FB6] =	sst s10  }
0x35: {  	s10 =	sld [smem:$0x3FB5];
	_ =	sdelay $0x3  }
0x36: {  	p1 =	seq.s32 s10, $0x1;
	s10 =	sld [smem:$0x3FB6];
	_ =	sdelay $0x3  }
0x37: {  	[smem:$0x3FB6] =	sst s10  }
0x38: {  	s10 =	sld [smem:$0x3FB7]  }
0x39: {  	_ = 	snop;
	(pc) =	sbr.ind lr, $3  }
0x3a: {  	_ = 	snop  }
0x3b: {  	_ = 	snop  }
0x3c: {  	p2 =	seq.s32 s10, $0x1;
	s10 =	sld [smem:$0x3FB6]  }
0x3d: {  	_ =	shalt  }
0x3e: {  	_ =	shalt  }
0x3f: {  	_ =	shalt  }
0x40: {  	_ =	shalt  }
0x41: {  	_ =	shalt  }
0x42: {  	_ =	shalt  }
0x43: {  	_ =	shalt  }
0x44: {  	_ =	shalt  }
0x45: {  	_ =	shalt  }
0x46: {  	_ =	shalt  }
0x47: {  	_ =	shalt  }
0x48: {  	_ =	shalt  }
0x49: {  	_ =	shalt  }
0x4a: {  	_ =	shalt  }
0x4b: {  	_ =	shalt  }
0x4c: {  	_ =	shalt  }
0x4d: {  	_ =	shalt  }
0x4e: {  	_ =	shalt  }
0x4f: {  	_ =	shalt  }
0x50: {  	_ =	shalt  }
0x51: {  	_ =	shalt  }
0x52: {  	_ =	shalt  }
0x53: {  	_ =	shalt  }
0x54: {  	_ =	shalt  }
0x55: {  	_ =	shalt  }
0x56: {  	_ =	shalt  }
0x57: {  	_ =	shalt  }
0x58: {  	_ =	shalt  }
0x59: {  	_ =	shalt  }
0x5a: {  	_ =	shalt  }
0x5b: {  	_ =	shalt  }
0x5c: {  	_ =	shalt  }
0x5d: {  	_ =	shalt  }
0x5e: {  	_ =	shalt  }
0x5f: {  	_ =	shalt  }
0x60: {  	_ =	shalt  }
0x61: {  	_ =	shalt  }
0x62: {  	_ =	shalt  }
0x63: {  	_ =	shalt  }
0x64: {  	_ =	shalt  }
0x65: {  	_ =	shalt  }
0x66: {  	_ =	shalt  }
0x67: {  	_ =	shalt  }
0x68: {  	_ =	shalt  }
0x69: {  	_ =	shalt  }
0x6a: {  	_ =	shalt  }
0x6b: {  	_ =	shalt  }
0x6c: {  	_ =	shalt  }
0x6d: {  	_ =	shalt  }
0x6e: {  	_ =	shalt  }
0x6f: {  	_ =	shalt  }
0x70: {  	_ =	shalt  }
0x71: {  	_ =	shalt  }
0x72: {  	_ =	shalt  }
0x73: {  	_ =	shalt  }
0x74: {  	_ =	shalt  }
0x75: {  	_ =	shalt  }
0x76: {  	_ =	shalt  }
0x77: {  	_ =	shalt  }
0x78: {  	_ =	shalt  }
0x79: {  	_ =	shalt  }
0x7a: {  	_ =	shalt  }
0x7b: {  	_ =	shalt  }
0x7c: {  	_ =	shalt  }
0x7d: {  	_ =	shalt  }
0x7e: {  	_ =	shalt  }
0x7f: {  	_ =	shalt  }
0x80: {  	_ =	shalt  }
0x81: {  	_ =	shalt  }
0x82: {  	_ =	shalt  }
0x83: {  	_ =	shalt  }
0x84: {  	_ =	shalt  }
0x85: {  	_ =	shalt  }
0x86: {  	_ =	shalt  }
0x87: {  	_ =	shalt  }
.Lfunc_end0:
.L_simem_size_0:
called_computation_lowered:
.L_overlay_start_0:
0x88: {  	s0 =	sld [smem:$0x3FD9]  }
0x89: {  	s1 =	sld [smem:$0x3FFE];
	_ =	sdelay $0x3  }
0x8a: {  	s0 =	sadd.s32 s1, s0  }
0x8b: {  	[smem:$0x3FC2] =	sst s0  }
0x8c: {  	_ = 	snop  }
0x8d: {  	s0 =	sld [smem:$0x3FD0];
	_ =	sdelay $0x1  }
0x8e: {  	s13 =	sld [smem:$0x3FC9]  }
0x8f: {  	s3 =	simm.s32 $0xA;
	s4 =	simm.s32 $0x10;
	s2 =	sld [smem:$0x3FC8]  }
0x90: {  	[smem:s4], [sflag:s3] =	dma.local [hbm:s0], $0x1  }
0x91: {  	_ =	swait.eq [sflag:s3], $0x1  }
0x92: {  	[sflag:s3] =	ssyncset.done $0x0  }
0x93: {  	[sflag:s3] =	ssyncadd.s32 $0xFFFFFFFF  }
0x94: {  	s14 =	sld [smem:$0x10];
	(tm) =	ssettm $0x1  }
0x95: {  	s15 =	sld [smem:$0x3FFB];
	_ =	sdelay $0x3  }
0x96: {  	_ =	strace s15  }
0x97: {  	s3 =	sld [smem:$0x3FFC];
	_ =	sdelay $0x3  }
0x98: {  	_ =	strace s3  }
0x99: {  	s3 =	sld [smem:$0x3FFD];
	_ =	sdelay $0x3  }
0x9a: {  	_ =	strace s3  }
0x9b: {  	_ =	strace $0x8FFFFFFF  }
0x9c: {  	s16 =	sld [smem:$0x3FDB];
	_ =	sdelay $0x1  }
0x9d: {  	s17 =	simm.s32 $_scs_section_size  }
0x9e: {  	s5 =	simm.s32 $_size__tile_overlayer_lowered;
	s6 =	simm.s32 $_tile_overlayer_lowered  }
0x9f: {  	s20 =	simm.s32 $0x1BFF;
	s19 =	sshll.u32 s6, $0x1;
	s3 =	sadd.s32 s17, s16  }
0xa0: {  	s7 =	simm.s32 $0x0;
	s18 =	sshll.u32 s5, $0x1;
	s5 =	sadd.s32 s19, s3  }
0xa1: {  	[timem:s7], [sflag:s20] =	dma.local [hbm:s5], s18  }
0xa2: {  	_ =	swait.ge [sflag:s20], s18  }
0xa3: {  	s4 =	ssub.s32 $0x0, s18;
	[sflag:s20] =	ssyncset.done $0x0  }
0xa4: {  	[sflag:s20] =	ssyncadd.s32 s4;
	_ =	sdelay $0x1  }
0xa5: {  	s21 =	simm.s32 $0x1B8B  }
0xa6: {  	_ =	swait.ge [sflag:s21], $0x1  }
0xa7: {  	[sflag:s21] =	ssyncset.done $0x0  }
0xa8: {  	s23 =	simm.s32 $0x1B8E;
	s22 =	sld [smem:$0x3FFE];
	[sflag:s21] =	ssyncadd.s32 $0xFFFFFFFF  }
0xa9: {  	s24 =	simm.s32 $execute0_lowered;
	[smem:$0x3FD2] =	sst s23  }
0xaa: {  	s5 =	sshll.u32 s24, $0x1;
	_ =	strace $0x80000046;
	[dreg:$0x1] =	wrdreg $0xFFFFFFFF  }
0xab: {  	s25 =	simm.s32 $_size_execute0_lowered;
	s3 =	sadd.s32 s3, s5;
	[dreg:$0x0] =	wrdreg $0x0  }
0xac: {  	s5 =	sshll.u32 s25, $0x1;
	[dreg:$0x2] =	wrdreg s3  }
0xad: {  	[dreg:$0x3] =	wrdreg s5  }
0xae: {  	[dreg:$0x4] =	wrdreg $0xC0  }
0xaf: {  	_ =	task [dreg:s7], $0x5FFFF  }
0xb0: {  	[dreg:$0x1] =	wrdreg $0xFFFFFFFF  }
0xb1: {  	[dreg:$0x0] =	wrdreg $0x60  }
0xb2: {  	[dreg:$0x2] =	wrdreg s14  }
0xb3: {  	[dreg:$0x3] =	wrdreg s13  }
0xb4: {  	[dreg:$0x4] =	wrdreg s2  }
0xb5: {  	[dreg:$0x5] =	wrdreg s22  }
0xb6: {  	[dreg:$0x6] =	wrdreg $0x9  }
0xb7: {  	_ =	task.clear_ibuf [dreg:s7], $0x7FFFF;
	_ =	strace $0x90000046  }
0xb8: {  	s26 =	simm.s32 $0x9;
	_ =	strace $0x80000048  }
0xb9: {  	_ =	swait.ge [sflag:s26], $0x1  }
0xba: {  	[sflag:s26] =	ssyncadd.s32 $0xFFFFFFFF  }
0xbb: {  	_ =	strace $0x90000048  }
0xbc: {  	_ =	sfence  }
0xbd: {  	s28 =	sld [smem:$0x0];
	_ =	sdelay $0x1  }
0xbe: {  	s29 =	srdreg.scid  }
0xbf: {  	s30 =	sshll.u32 s29, $0xD;
	s31 =	sshrl.u32 s29, $0x2  }
0xc0: {  	s1 =	sand.u32 $0x1, s29;
	s2 =	sand.u32 $0x4000, s30;
	s0 =	sadd.s32 s31, s28  }
0xc1: {  	s1 =	sor.u32 s2, s1;
	s0 =	sshll.u32 s0, $0x11  }
0xc2: {  	s0 =	sor.u32 s0, s1  }
0xc3: {  	s0 =	sadd.s32 $0x8F2B, s0  }
0xc4: {  	[sflag:s0] =	ssyncadd.remote.s32 $0x1  }
0xc5: {  	_ =	sfence.sel $0xFFFF  }
0xc6: {  	[dreg:$0x0] =	wrdreg $0xFFFFFFFF;
	(pc) =	sbr.abs _section_cstart, $3  }
0xc7: {  	[dreg:$0x1] =	wrdreg $0xFFFFFFFF  }
0xc8: {  	_ =	task.clear_ibuf [dreg:s7], $0x2FFFF;
	_ =	strace $0x9FFFFFFF  }
0xc9: {  	(tm) =	ssettm $0x7FFFFFFF  }
tec
execute0_lowered:
.L_overlay_start_1:
0x0: {  	(tag) =	ssettag $0x1  }
0x1: {  	s4 =	rddreg [dreg:$0x0]  }
0x2: {  	s3 =	rddreg [dreg:$0x1]  }
0x3: {  	s5 =	rddreg [dreg:$0x2]  }
0x4: {  	s2 =	rddreg [dreg:$0x3];
	s6 =	simm.s32 $0x0;
	s1 =	stileid.u32  }
0x5: {  	[smem:$0x7FF] =	sst s6;
	s7 =	sshll.u32 s1, $0x3  }
0x6: {  	s0 =	rddreg [dreg:$0x4];
	_ =	strace $0x80000047;
	s3 =	sadd.s32 s3, s7  }
0x7: {  	[tilespmem:s6], [sflag:$0x1] =	stream.linear.gather [hbm4b:s3+s6], $0x40, $0x38;
	[tilespmem:$0x2100] =	vst v63  }
0x8: {  	s20 =	simm.s32 $0x40;
	s21 =	simm.s32 $0x1;
	s5 =	sadd.s32 s5, s7  }
0x9: {  	[tilespmem:s20], [sflag:$0x2] =	stream.linear.gather [hbm4b:s5+s6], $0x40, $0x38;
	[tilespmem:$0x2100] =	vst v63  }
0xa: {  	s22 =	sshll.u32 s1, $0x6;
	_ =	swait.ge [sflag:s21], $0x40  }
0xb: {  	v1 =	vlaneseq.u32;
	s5 =	sand.u32 $0x40, s22;
	[sflag:s21] =	ssyncset.done $0x0  }
0xc: {  	v4 =	vmul.u32 $0x8, v1;
	v3 =	vmov s5;
	s8 =	sor.u32 $0x10, s5;
	[sflag:s21] =	ssyncadd.s32 $0xFFFFFFC0  }
0xd: {  	s25 =	sor.u32 $0x20, s5;
	s5 =	sor.u32 $0x30, s5;
	v3 =	vshll.u32 v3, $0x3;
	v6 =	vmov s8;
	v0 =	vld [tilespmem:$0x0]  }
0xe: {  	s23 =	sshrl.u32 s1, $0x1;
	v48 =	vmov s5;
	v3 =	vor.u32 v4, v3;
	v6 =	vshll.u32 v6, $0x3;
	v2 =	vld [tilespmem:$0x10]  }
0xf: {  	v50 =	vshll.u32 v48, $0x3;
	v5 =	vld [tilespmem:$0x20];
	v3 =	vor.u32 s23, v3;
	v6 =	vor.u32 v4, v6  }
0x10: {  	s24 =	smul.u32 $0x48, s23;
	v51 =	vor.u32 v4, v50;
	[tilespmem:$0xC0] =	vst v3;
	v45 =	vor.u32 s23, v6  }
0x11: {  	v44 =	vld [tilespmem:$0x30];
	v52 =	vor.u32 s23, v51;
	[tilespmem:$0xD0] =	vst v45  }
0x12: {  	v7 =	vmov s25;
	[tilespmem:$0xF0] =	vst v52;
	v0 =	vadd.s32 s24, v0  }
0x13: {  	v46 =	vshll.u32 v7, $0x3;
	v2 =	vadd.s32 s24, v2;
	[tilespmem:$0x80] =	vst v0  }
0x14: {  	v47 =	vor.u32 v4, v46;
	v49 =	vadd.s32 s24, v5;
	[tilespmem:$0x90] =	vst v2  }
0x15: {  	v2 =	vor.u32 s23, v47;
	[tilespmem:$0xA0] =	vst v49  }
0x16: {  	v0 =	vadd.s32 s24, v44;
	[tilespmem:$0xE0] =	vst v2  }
0x17: {  	s26 =	simm.s32 $0x80;
	s28 =	simm.s32 $0x100;
	s29 =	simm.s32 $0x3;
	[tilespmem:$0xB0] =	vst v0  }
0x18: {  	[tilespmem:s28], [sflag:$0x3] =	stream.indirect.gather [hbm4b:s4+s20], $0x80, s26, s20, $0xb8;
	[tilespmem:$0x2100] =	vst v63  }
0x19: {  	_ =	swait.ge [sflag:s29], $0x2000  }
0x1a: {  	[sflag:s29] =	ssyncset.done $0x0  }
0x1b: {  	s30 =	simm.s32 $0x2;
	[sflag:s29] =	ssyncadd.s32 $0xFFFFE000  }
0x1c: {  	_ =	swait.ge [sflag:s30], $0x40  }
0x1d: {  	[sflag:s30] =	ssyncset.done $0x0  }
0x1e: {  	[sflag:s30] =	ssyncadd.s32 $0xFFFFFFC0  }
0x1f: {  	v53 =	vld [tilespmem:$0x40];
	_ =	sdelay $0x1  }
0x20: {  	v1 =	vmul.u32 $0x80, v1;
	v54 =	vld [tilespmem:$0x50];
	_ =	sdelay $0x1  }
0x21: {  	v55 =	vor.u32 $0x41, v1;
	v56 =	vld [tilespmem:$0x60]  }
0x22: {  	v0 =	vadd.s32 v1, v53  }
0x23: {  	v57 =	vor.u32 $0x841, v1;
	v58 =	vor.u32 $0x800, v1;
	v59 =	vld [tilespmem:$0x70]  }
0x24: {  	v2 =	vadd.s32 v58, v54  }
0x25: {  	v60 =	vor.u32 $0x1041, v1;
	v8 =	vor.u32 $0x1000, v1  }
0x26: {  	v3 =	vld.idx.msk [tilespmem:v55+s28+$0x0], $0xffff;
	v4 =	vadd.s32 v8, v56  }
0x27: {  	v61 =	vor.u32 $0x1841, v1;
	v1 =	vor.u32 $0x1800, v1;
	v0 =	vld.idx.msk [tilespmem:v0+s28+$0x0], $0xffff  }
0x28: {  	v5 =	vld.idx.msk [tilespmem:v57+s28+$0x0], $0xffff;
	v1 =	vadd.s32 v1, v59  }
0x29: {  	v2 =	vld.idx.msk [tilespmem:v2+s28+$0x0], $0xffff  }
0x2a: {  	v6 =	vld.idx.msk [tilespmem:v60+s28+$0x0], $0xffff  }
0x2b: {  	v4 =	vld.idx.msk [tilespmem:v4+s28+$0x0], $0xffff  }
0x2c: {  	v62 =	vld.idx.msk [tilespmem:v61+s28+$0x0], $0xffff;
	v0 =	vsub.f32 v3, v0  }
0x2d: {  	v1 =	vld.idx.msk [tilespmem:v1+s28+$0x0], $0xffff  }
0x2e: {  	v2 =	vsub.f32 v5, v2;
	v0 =	vadd.f32 $0.0e+00, v0;
	_ =	sdelay $0x1  }
0x2f: {  	v63 =	vsub.f32 v6, v4;
	v0 =	vadd.f32 v2, v0;
	_ =	sdelay $0x1  }
0x30: {  	v1 =	vsub.f32 v62, v1;
	v0 =	vadd.f32 v63, v0;
	_ =	sdelay $0x1  }
0x31: {  	v0 =	vadd.f32 v1, v0;
	_ =	sdelay $0x1  }
0x32: {  	v0 =	vmul.f32 $9.765625000e-04, v0;
	_ =	sdelay $0x1  }
0x33: {  	s31 =	simm.s32 $0xC0;
	s2 =	sadd.s32 $0xA00, s2;
	[tilespmem:$0x150] =	vst v0  }
0x34: {  	[hbm4b:s2+s20] =	stream.indirect.scatter [tilespmem:s28], [sflag:$0x3], $0x80, s31, s20, $0xb8;
	[tilespmem:$0x2100] =	vst v63  }
0x35: {  	_ =	swait.ge [sflag:s29], $0x2000  }
0x36: {  	[sflag:s29] =	ssyncset.done $0x0  }
0x37: {  	[sflag:s29] =	ssyncadd.s32 $0xFFFFE000  }
0x38: {  	_ =	sfence.sel $0x180000  }
0x39: {  	[bflag:$0x0] =	sbarrier.arrive $0xFFFF  }
0x3a: {  	p0 =	sne.s32 s1, $0x0;
	_ =	strace $0x90000047  }
0x3b: {  	s0 =	sadd.s32 @!p0 $0x100000, s0;
	[bflag:$0x2] =	sbarrier.arrive $0xFFFF  }
0x3c: {  	[sflag:s0] =	ssyncadd.tile.s32 @!p0 $0x1;
	_ =	shalt  }
.Lfunc_end2:
_tile_overlayer_lowered:
.L_overlay_start_2:
0x3d: {  	(tag) =	ssettag $0x2  }
0x3e: {  	s0 =	rddreg [dreg:$0x0];
	s2 =	stileid.u32  }
0x3f: {  	s1 =	rddreg [dreg:$0x1];
	p0 =	sne.s32 s2, $0x0  }
0x40: {  	s3 =	rddreg [dreg:$0x2];
	[bflag:$0x3] =	sbarrier.arrive $0xFFFF;
	s2 =	simm.s32 @!p0 $0x1C04  }
0x41: {  	[timem:s3], [sflag:s2] =	dma.local @!p0 [hbm:s0], s1  }
0x42: {  	s0 =	simm.s32 @!p0 $0x4  }
0x43: {  	_ =	swait.ge @!p0 [sflag:s0], s1  }
0x44: {  	s1 =	ssub.s32 @!p0 $0x0, s1;
	[sflag:s0] =	ssyncset.done @!p0 $0x0  }
0x45: {  	[sflag:s0] =	ssyncadd.s32 @!p0 s1  }
0x46: {  	[bflag:$0x3] =	sbarrier.arrive $0xFFFF  }
0x47: {  	_ =	shalt  }

</sc_bundles>
